<compile_context>
chip_gen: v7x
topology: tpu7x:2x2x1
jax: 0.10.2.dev20260603
libtpu: 0.0.44.dev20260713+nightly
codegen_flags: <defaults>
</compile_context>

<pallas_src>
import functools

import jax
import jax.numpy as jnp
from jax import lax
from jax.experimental import pallas as pl
from jax.experimental.pallas import tpu as pltpu
from jax.experimental.pallas import tpu_sc as plsc

_N = 256
_DT = 0.05
_LANES = 16


def _make_body(nc, rows_w, n_chunks):
    def body(x_hbm, f_hbm, o_hbm, buf, tab, sem_t, sem_x, sem_o):
        wid = lax.axis_index("s") * nc + lax.axis_index("c")
        base = wid * rows_w
        groups = 2
        rows_g = rows_w // groups
        chunks_g = n_chunks // groups
        h_t = pltpu.async_copy(f_hbm, tab, sem_t)
        h_x = pltpu.async_copy(x_hbm.at[pl.ds(base, rows_w)], buf, sem_x)
        h_t.wait()
        h_x.wait()
        lane = lax.iota(jnp.int32, _LANES)
        vcol = jnp.full((_LANES,), 1, jnp.int32)
        outs = []
        for g in range(groups):
            @plsc.parallel_loop(g * chunks_g, (g + 1) * chunks_g, unroll=4)
            def chunk(i):
                ridx = lane + i * _LANES
                w = plsc.load_gather(buf, [ridx, vcol])
                fi = w.astype(jnp.int32)
                a = w - fi.astype(jnp.float32)
                ci = jnp.minimum(fi + 1, _N)
                f0 = plsc.load_gather(tab, [fi])
                f1 = plsc.load_gather(tab, [ci])
                stepped = w + _DT * (f0 + a * (f1 - f0))
                plsc.store_scatter(buf, [ridx, vcol], stepped)

            outs.append(
                pltpu.async_copy(
                    buf.at[pl.ds(g * rows_g, rows_g)],
                    o_hbm.at[pl.ds(base + g * rows_g, rows_g)],
                    sem_o,
                )
            )
        for h in outs:
            h.wait()

    return body


@functools.lru_cache(maxsize=None)
def _build(rows, tab_words):
    info = plsc.get_sparse_core_info()
    nc, ns = info.num_cores, info.num_subcores
    nw = nc * ns
    rows_w = rows // nw
    n_chunks = rows_w // _LANES
    mesh = plsc.VectorSubcoreMesh(
        core_axis_name="c", subcore_axis_name="s", num_cores=nc
    )
    return pl.kernel(
        _make_body(nc, rows_w, n_chunks),
        mesh=mesh,
        out_type=jax.ShapeDtypeStruct((rows, 2), jnp.float32),
        compiler_params=pltpu.CompilerParams(needs_layout_passes=False),
        scratch_types=[
            pltpu.VMEM((rows_w, 2), jnp.float32),
            pltpu.VMEM((tab_words,), jnp.float32),
            pltpu.SemaphoreType.DMA,
            pltpu.SemaphoreType.DMA,
            pltpu.SemaphoreType.DMA,
        ],
    )


def kernel(X, force):
    return _build(X.shape[0], force.shape[0])(X, force)

# --- scband reference (transcript-rebuilt; emitter-appended) ---
"""Pipeline reference for scband-f-function-discrete-70987219468600 (READ-ONLY COPY).

The authoritative reference and input builder live on the scoring server;
editing this copy changes nothing except your own understanding.
"""

import jax, jax.numpy as jnp
import numpy as np

N = 256
dt = 0.05

def setup_inputs(seed: int = 0) -> dict:
    key = jax.random.key(seed)
    k1, k2 = jax.random.split(key)
    X = jax.random.uniform(k1, (16384, 2), dtype=jnp.float32)  # fill=rand; v in [0,1) keeps indices in-range
    force = jax.random.uniform(k2, (N + 1,), dtype=jnp.float32)  # learned parameter, matches torch.rand(N+1)
    return {"X": X, "force": force}

def reference(X, force):
    x = X[:, 0]
    v = X[:, 1]
    floor_v = jnp.floor(v).astype(jnp.int32)
    ceil_v = jnp.minimum(floor_v + 1, N)
    alpha = v - floor_v.astype(v.dtype)
    interp = (1.0 - alpha) * jnp.take(force, floor_v, axis=0) + alpha * jnp.take(force, ceil_v, axis=0)
    out = jnp.stack([x, v + dt * interp]).T
    return out

if __name__ == "__main__":
    import jax
    _d = setup_inputs()
    print(jax.jit(kernel)(*tuple(_d.values())))

</pallas_src>

<mosaic_0001>
#map = affine_map<(d0, d1) -> (0, 0)>
#map1 = affine_map<(d0, d1) -> (0)>
module attributes {stable_mosaic.version = 14 : i64} {
  func.func @body(%arg0: i32, %arg1: i32, %arg2: memref<16384x2xf32, #tpu.memory_space<hbm>>, %arg3: memref<257xf32, #tpu.memory_space<hbm>>, %arg4: memref<16384x2xf32, #tpu.memory_space<hbm>>, %arg5: memref<512x2xf32, #tpu.memory_space<vmem>>, %arg6: memref<257xf32, #tpu.memory_space<vmem>>, %arg7: memref<!tpu.dma_semaphore, #tpu.memory_space<semaphore_mem>>, %arg8: memref<!tpu.dma_semaphore, #tpu.memory_space<semaphore_mem>>, %arg9: memref<!tpu.dma_semaphore, #tpu.memory_space<semaphore_mem>>) attributes {dimension_semantics = [#tpu.dimension_semantics<core_parallel>, #tpu.dimension_semantics<subcore_parallel>], iteration_bounds = array<i64: 2, 16>, scalar_prefetch = 0 : i64, scratch_operands = 5 : i64, tpu.core_type = #tpu.core_type<sc_vector_subcore>, window_params = [{transform_indices = #map}, {transform_indices = #map1}, {transform_indices = #map}]} {
    %mul3A = arith.constant 2 : i32
    %mul3A_0 = arith.muli %arg1, %mul3A : i32
    %add3A = arith.addi %mul3A_0, %arg0 : i32
    %mul3A_1 = arith.constant 512 : i32
    %mul3A_2 = arith.muli %add3A, %mul3A_1 : i32
    tpu.enqueue_dma source(%arg3 : memref<257xf32, #tpu.memory_space<hbm>>) target(%arg6 : memref<257xf32, #tpu.memory_space<vmem>>) target_semaphore(%arg7 : memref<!tpu.dma_semaphore, #tpu.memory_space<semaphore_mem>>)
    %dma_start3A = arith.constant 0 : i32
    %dma_start3A_3 = tpu.memref_slice %arg2[%mul3A_2, %dma_start3A] : memref<16384x2xf32, #tpu.memory_space<hbm>> -> memref<512x2xf32, #tpu.memory_space<hbm>>
    %dma_start3A_4 = arith.constant 0 : i32
    %dma_start3A_5 = tpu.memref_slice %arg2[%mul3A_2, %dma_start3A_4] : memref<16384x2xf32, #tpu.memory_space<hbm>> -> memref<512x2xf32, #tpu.memory_space<hbm>>
    tpu.enqueue_dma source(%dma_start3A_5 : memref<512x2xf32, #tpu.memory_space<hbm>>) target(%arg5 : memref<512x2xf32, #tpu.memory_space<vmem>>) target_semaphore(%arg8 : memref<!tpu.dma_semaphore, #tpu.memory_space<semaphore_mem>>)
    tpu.wait_dma2 semaphore(%arg7 : memref<!tpu.dma_semaphore, #tpu.memory_space<semaphore_mem>>) src(%arg3 : memref<257xf32, #tpu.memory_space<hbm>>) dst(%arg6 : memref<257xf32, #tpu.memory_space<vmem>>)
    %dma_wait3A = arith.constant 0 : i32
    %dma_wait3A_6 = tpu.memref_slice %arg2[%mul3A_2, %dma_wait3A] : memref<16384x2xf32, #tpu.memory_space<hbm>> -> memref<512x2xf32, #tpu.memory_space<hbm>>
    %dma_wait3A_7 = arith.constant 0 : i32
    %dma_wait3A_8 = tpu.memref_slice %arg2[%mul3A_2, %dma_wait3A_7] : memref<16384x2xf32, #tpu.memory_space<hbm>> -> memref<512x2xf32, #tpu.memory_space<hbm>>
    tpu.wait_dma2 semaphore(%arg8 : memref<!tpu.dma_semaphore, #tpu.memory_space<semaphore_mem>>) src(%dma_wait3A_8 : memref<512x2xf32, #tpu.memory_space<hbm>>) dst(%arg5 : memref<512x2xf32, #tpu.memory_space<vmem>>)
    %iota3A = tpu.iota {dimensions = array<i32: 0>} : vector<16xi32>
    %broadcast_in_dim3A = arith.constant 1 : i32
    %broadcast_in_dim3A_9 = vector.broadcast %broadcast_in_dim3A : i32 to vector<16xi32>
    %parallel_loop3A = arith.constant 0 : i32
    %parallel_loop3A_10 = arith.constant 16 : i32
    %parallel_loop3A_11 = arith.constant 1 : i32
    scf.for %parallel_loop3A_59 = %parallel_loop3A to %parallel_loop3A_10 step %parallel_loop3A_11  : i32 {
      %parallel_loop3A_60 = arith.constant 16 : i32
      %parallel_loop3A_61 = arith.muli %parallel_loop3A_59, %parallel_loop3A_60 : i32
      %parallel_loop3A_62 = vector.broadcast %parallel_loop3A_61 : i32 to vector<16xi32>
      %parallel_loop3A_63 = arith.addi %iota3A, %parallel_loop3A_62 : vector<16xi32>
      %parallel_loop3A_64 = tpu.vector_load_idx %arg5[%parallel_loop3A_63, %broadcast_in_dim3A_9] : memref<512x2xf32, #tpu.memory_space<vmem>>[vector<16xi32>, vector<16xi32>], vector<16xf32>,
      %parallel_loop3A_65 = arith.fptosi %parallel_loop3A_64 : vector<16xf32> to vector<16xi32>
      %parallel_loop3A_66 = arith.sitofp %parallel_loop3A_65 : vector<16xi32> to vector<16xf32>
      %parallel_loop3A_67 = arith.subf %parallel_loop3A_64, %parallel_loop3A_66 : vector<16xf32>
      %parallel_loop3A_68 = arith.constant 1 : i32
      %parallel_loop3A_69 = vector.broadcast %parallel_loop3A_68 : i32 to vector<16xi32>
      %parallel_loop3A_70 = arith.addi %parallel_loop3A_65, %parallel_loop3A_69 : vector<16xi32>
      %parallel_loop3A_71 = arith.constant 256 : i32
      %parallel_loop3A_72 = vector.broadcast %parallel_loop3A_71 : i32 to vector<16xi32>
      %parallel_loop3A_73 = arith.minsi %parallel_loop3A_70, %parallel_loop3A_72 : vector<16xi32>
      %parallel_loop3A_74 = tpu.vector_load_idx %arg6[%parallel_loop3A_65] : memref<257xf32, #tpu.memory_space<vmem>>[vector<16xi32>], vector<16xf32>,
      %parallel_loop3A_75 = tpu.vector_load_idx %arg6[%parallel_loop3A_73] : memref<257xf32, #tpu.memory_space<vmem>>[vector<16xi32>], vector<16xf32>,
      %parallel_loop3A_76 = arith.subf %parallel_loop3A_75, %parallel_loop3A_74 : vector<16xf32>
      %parallel_loop3A_77 = arith.mulf %parallel_loop3A_67, %parallel_loop3A_76 : vector<16xf32>
      %parallel_loop3A_78 = arith.addf %parallel_loop3A_74, %parallel_loop3A_77 : vector<16xf32>
      %parallel_loop3A_79 = arith.constant 5.000000e-02 : f32
      %parallel_loop3A_80 = vector.broadcast %parallel_loop3A_79 : f32 to vector<16xf32>
      %parallel_loop3A_81 = arith.mulf %parallel_loop3A_80, %parallel_loop3A_78 : vector<16xf32>
      %parallel_loop3A_82 = arith.addf %parallel_loop3A_64, %parallel_loop3A_81 : vector<16xf32>
      tpu.vector_store_idx %arg5[%parallel_loop3A_63, %broadcast_in_dim3A_9], %parallel_loop3A_82 : memref<512x2xf32, #tpu.memory_space<vmem>>[vector<16xi32>, vector<16xi32>], vector<16xf32>,
    } {sc.loop_unroll_factor = 4 : i64, sc.parallel_access}
    %add3A_12 = arith.constant 0 : i32
    %add3A_13 = arith.addi %mul3A_2, %add3A_12 : i32
    %dma_start3A_14 = arith.constant 0 : i32
    %dma_start3A_15 = arith.constant 0 : i32
    %dma_start3A_16 = tpu.memref_slice %arg5[%dma_start3A_14, %dma_start3A_15] : memref<512x2xf32, #tpu.memory_space<vmem>> -> memref<256x2xf32, #tpu.memory_space<vmem>>
    %dma_start3A_17 = arith.constant 0 : i32
    %dma_start3A_18 = tpu.memref_slice %arg4[%add3A_13, %dma_start3A_17] : memref<16384x2xf32, #tpu.memory_space<hbm>> -> memref<256x2xf32, #tpu.memory_space<hbm>>
    %dma_start3A_19 = arith.constant 0 : i32
    %dma_start3A_20 = tpu.memref_slice %arg4[%add3A_13, %dma_start3A_19] : memref<16384x2xf32, #tpu.memory_space<hbm>> -> memref<256x2xf32, #tpu.memory_space<hbm>>
    %dma_start3A_21 = arith.constant 0 : i32
    %dma_start3A_22 = arith.constant 0 : i32
    %dma_start3A_23 = tpu.memref_slice %arg5[%dma_start3A_21, %dma_start3A_22] : memref<512x2xf32, #tpu.memory_space<vmem>> -> memref<256x2xf32, #tpu.memory_space<vmem>>
    tpu.enqueue_dma source(%dma_start3A_23 : memref<256x2xf32, #tpu.memory_space<vmem>>) target(%dma_start3A_20 : memref<256x2xf32, #tpu.memory_space<hbm>>) target_semaphore(%arg9 : memref<!tpu.dma_semaphore, #tpu.memory_space<semaphore_mem>>)
    %parallel_loop3A_24 = arith.constant 16 : i32
    %parallel_loop3A_25 = arith.constant 32 : i32
    %parallel_loop3A_26 = arith.constant 1 : i32
    scf.for %parallel_loop3A_59 = %parallel_loop3A_24 to %parallel_loop3A_25 step %parallel_loop3A_26  : i32 {
      %parallel_loop3A_60 = arith.constant 16 : i32
      %parallel_loop3A_61 = arith.muli %parallel_loop3A_59, %parallel_loop3A_60 : i32
      %parallel_loop3A_62 = vector.broadcast %parallel_loop3A_61 : i32 to vector<16xi32>
      %parallel_loop3A_63 = arith.addi %iota3A, %parallel_loop3A_62 : vector<16xi32>
      %parallel_loop3A_64 = tpu.vector_load_idx %arg5[%parallel_loop3A_63, %broadcast_in_dim3A_9] : memref<512x2xf32, #tpu.memory_space<vmem>>[vector<16xi32>, vector<16xi32>], vector<16xf32>,
      %parallel_loop3A_65 = arith.fptosi %parallel_loop3A_64 : vector<16xf32> to vector<16xi32>
      %parallel_loop3A_66 = arith.sitofp %parallel_loop3A_65 : vector<16xi32> to vector<16xf32>
      %parallel_loop3A_67 = arith.subf %parallel_loop3A_64, %parallel_loop3A_66 : vector<16xf32>
      %parallel_loop3A_68 = arith.constant 1 : i32
      %parallel_loop3A_69 = vector.broadcast %parallel_loop3A_68 : i32 to vector<16xi32>
      %parallel_loop3A_70 = arith.addi %parallel_loop3A_65, %parallel_loop3A_69 : vector<16xi32>
      %parallel_loop3A_71 = arith.constant 256 : i32
      %parallel_loop3A_72 = vector.broadcast %parallel_loop3A_71 : i32 to vector<16xi32>
      %parallel_loop3A_73 = arith.minsi %parallel_loop3A_70, %parallel_loop3A_72 : vector<16xi32>
      %parallel_loop3A_74 = tpu.vector_load_idx %arg6[%parallel_loop3A_65] : memref<257xf32, #tpu.memory_space<vmem>>[vector<16xi32>], vector<16xf32>,
      %parallel_loop3A_75 = tpu.vector_load_idx %arg6[%parallel_loop3A_73] : memref<257xf32, #tpu.memory_space<vmem>>[vector<16xi32>], vector<16xf32>,
      %parallel_loop3A_76 = arith.subf %parallel_loop3A_75, %parallel_loop3A_74 : vector<16xf32>
      %parallel_loop3A_77 = arith.mulf %parallel_loop3A_67, %parallel_loop3A_76 : vector<16xf32>
      %parallel_loop3A_78 = arith.addf %parallel_loop3A_74, %parallel_loop3A_77 : vector<16xf32>
      %parallel_loop3A_79 = arith.constant 5.000000e-02 : f32
      %parallel_loop3A_80 = vector.broadcast %parallel_loop3A_79 : f32 to vector<16xf32>
      %parallel_loop3A_81 = arith.mulf %parallel_loop3A_80, %parallel_loop3A_78 : vector<16xf32>
      %parallel_loop3A_82 = arith.addf %parallel_loop3A_64, %parallel_loop3A_81 : vector<16xf32>
      tpu.vector_store_idx %arg5[%parallel_loop3A_63, %broadcast_in_dim3A_9], %parallel_loop3A_82 : memref<512x2xf32, #tpu.memory_space<vmem>>[vector<16xi32>, vector<16xi32>], vector<16xf32>,
    } {sc.loop_unroll_factor = 4 : i64, sc.parallel_access}
    %add3A_27 = arith.constant 256 : i32
    %add3A_28 = arith.addi %mul3A_2, %add3A_27 : i32
    %dma_start3A_29 = arith.constant 256 : i32
    %dma_start3A_30 = arith.constant 0 : i32
    %dma_start3A_31 = tpu.memref_slice %arg5[%dma_start3A_29, %dma_start3A_30] : memref<512x2xf32, #tpu.memory_space<vmem>> -> memref<256x2xf32, #tpu.memory_space<vmem>>
    %dma_start3A_32 = arith.constant 0 : i32
    %dma_start3A_33 = tpu.memref_slice %arg4[%add3A_28, %dma_start3A_32] : memref<16384x2xf32, #tpu.memory_space<hbm>> -> memref<256x2xf32, #tpu.memory_space<hbm>>
    %dma_start3A_34 = arith.constant 0 : i32
    %dma_start3A_35 = tpu.memref_slice %arg4[%add3A_28, %dma_start3A_34] : memref<16384x2xf32, #tpu.memory_space<hbm>> -> memref<256x2xf32, #tpu.memory_space<hbm>>
    %dma_start3A_36 = arith.constant 256 : i32
    %dma_start3A_37 = arith.constant 0 : i32
    %dma_start3A_38 = tpu.memref_slice %arg5[%dma_start3A_36, %dma_start3A_37] : memref<512x2xf32, #tpu.memory_space<vmem>> -> memref<256x2xf32, #tpu.memory_space<vmem>>
    tpu.enqueue_dma source(%dma_start3A_38 : memref<256x2xf32, #tpu.memory_space<vmem>>) target(%dma_start3A_35 : memref<256x2xf32, #tpu.memory_space<hbm>>) target_semaphore(%arg9 : memref<!tpu.dma_semaphore, #tpu.memory_space<semaphore_mem>>)
    %dma_wait3A_39 = arith.constant 0 : i32
    %dma_wait3A_40 = arith.constant 0 : i32
    %dma_wait3A_41 = tpu.memref_slice %arg5[%dma_wait3A_39, %dma_wait3A_40] : memref<512x2xf32, #tpu.memory_space<vmem>> -> memref<256x2xf32, #tpu.memory_space<vmem>>
    %dma_wait3A_42 = arith.constant 0 : i32
    %dma_wait3A_43 = tpu.memref_slice %arg4[%add3A_13, %dma_wait3A_42] : memref<16384x2xf32, #tpu.memory_space<hbm>> -> memref<256x2xf32, #tpu.memory_space<hbm>>
    %dma_wait3A_44 = arith.constant 0 : i32
    %dma_wait3A_45 = tpu.memref_slice %arg4[%add3A_13, %dma_wait3A_44] : memref<16384x2xf32, #tpu.memory_space<hbm>> -> memref<256x2xf32, #tpu.memory_space<hbm>>
    %dma_wait3A_46 = arith.constant 0 : i32
    %dma_wait3A_47 = arith.constant 0 : i32
    %dma_wait3A_48 = tpu.memref_slice %arg5[%dma_wait3A_46, %dma_wait3A_47] : memref<512x2xf32, #tpu.memory_space<vmem>> -> memref<256x2xf32, #tpu.memory_space<vmem>>
    tpu.wait_dma2 semaphore(%arg9 : memref<!tpu.dma_semaphore, #tpu.memory_space<semaphore_mem>>) src(%dma_wait3A_48 : memref<256x2xf32, #tpu.memory_space<vmem>>) dst(%dma_wait3A_45 : memref<256x2xf32, #tpu.memory_space<hbm>>)
    %dma_wait3A_49 = arith.constant 256 : i32
    %dma_wait3A_50 = arith.constant 0 : i32
    %dma_wait3A_51 = tpu.memref_slice %arg5[%dma_wait3A_49, %dma_wait3A_50] : memref<512x2xf32, #tpu.memory_space<vmem>> -> memref<256x2xf32, #tpu.memory_space<vmem>>
    %dma_wait3A_52 = arith.constant 0 : i32
    %dma_wait3A_53 = tpu.memref_slice %arg4[%add3A_28, %dma_wait3A_52] : memref<16384x2xf32, #tpu.memory_space<hbm>> -> memref<256x2xf32, #tpu.memory_space<hbm>>
    %dma_wait3A_54 = arith.constant 0 : i32
    %dma_wait3A_55 = tpu.memref_slice %arg4[%add3A_28, %dma_wait3A_54] : memref<16384x2xf32, #tpu.memory_space<hbm>> -> memref<256x2xf32, #tpu.memory_space<hbm>>
    %dma_wait3A_56 = arith.constant 256 : i32
    %dma_wait3A_57 = arith.constant 0 : i32
    %dma_wait3A_58 = tpu.memref_slice %arg5[%dma_wait3A_56, %dma_wait3A_57] : memref<512x2xf32, #tpu.memory_space<vmem>> -> memref<256x2xf32, #tpu.memory_space<vmem>>
    tpu.wait_dma2 semaphore(%arg9 : memref<!tpu.dma_semaphore, #tpu.memory_space<semaphore_mem>>) src(%dma_wait3A_58 : memref<256x2xf32, #tpu.memory_space<vmem>>) dst(%dma_wait3A_55 : memref<256x2xf32, #tpu.memory_space<hbm>>)
    return
  }
}

</mosaic_0001>

<sc_bundles>
// kernel: kernel.3.cloned.1.call-start
scs
__scs_entry_jumppad:
0x0: {  	(pc) =	sbr.rel $0x88, $3  }
0x1: {  	(tag) =	ssettag $0x0;
	lr =	simm.s32 $0x1  }
0x2: {  	[smem:$0x3F9F] =	sst lr;
	_ =	strace $0xD0000000  }
0x3: {  	_ = 	snop  }
0x4: {  	_ = 	snop  }
0x5: {  	_ = 	snop  }
0x6: {  	_ = 	snop  }
0x7: {  	_ = 	snop  }
__scs_overlays_trampoline_lowered:
0x8: {  	[smem:$0x3FAE] =	sst s0  }
0x9: {  	[smem:$0x3FAF] =	sst s1  }
0xa: {  	[smem:$0x3FB0] =	sst s2  }
0xb: {  	[smem:$0x3FB1] =	sst s3  }
0xc: {  	[smem:$0x3FB2] =	sst s4  }
0xd: {  	[smem:$0x3FB3] =	sst s5  }
0xe: {  	[smem:$0x3FB4] =	sst s6  }
0xf: {  	[smem:$0x3FB5] =	sst s7  }
0x10: {  	[smem:$0x3FB6] =	sst s8  }
0x11: {  	[smem:$0x3FB7] =	sst s9;
	s0 =	simm.s32 @!p0 $0x0  }
0x12: {  	s1 =	sld [smem:$0x3F9D];
	s0 =	simm.s32 @p0 $0x1  }
0x13: {  	[smem:$0x3FB8] =	sst s0;
	s0 =	simm.s32 @!p1 $0x0  }
0x14: {  	s2 =	sld [smem:$0x3F9C];
	s0 =	simm.s32 @p1 $0x1  }
0x15: {  	[smem:$0x3FB9] =	sst s0;
	s0 =	simm.s32 @!p2 $0x0  }
0x16: {  	s3 =	sld [smem:$0x3FDB];
	s0 =	simm.s32 @p2 $0x1  }
0x17: {  	s4 =	simm.s32 $0x1BF5;
	[smem:$0x3FBB] =	sst s0  }
0x18: {  	s0 =	sld [smem:$0x3F9E];
	_ =	swait.ge [sflag:s4], $0x0  }
0x19: {  	s7 =	sld [smem:$0x3F9F]  }
0x1a: {  	s8 =	sadd.s32 $0xFFFFE003, lr  }
0x1b: {  	s9 =	sadd.s32 $0xFFFFFEF7, lr;
	s5 =	simm.s32 $0xFFFFFFFF;
	p2 =	slt.u32 s8, $0xFFFFF086  }
0x1c: {  	p1 =	slt.u32 s9, $0xF7A;
	s5 =	simm.s32 @!p2 $0x0  }
0x1d: {  	s5 =	simm.s32 @p1 $0x1;
	p0 =	seq.s32 s7, s2  }
0x1e: {  	s7 =	smul.u32 @!p0 $0xF7A, s2;
	p2 =	seq.s32 @!p0 s5, $0x0  }
0x1f: {  	s9 =	smul.u32 $0xF7A, s1;
	s8 =	simm.s32 @!p0 $0x1BF5;
	p2 =	por !p2, p0  }
0x20: {  	[sflag:s8] =	ssyncset.s32 @!p0 $0xFFFFF086;
	s6 =	sadd.s32 @!p0 s3, s7;
	s7 =	simm.s32 @!p0 $0x108  }
0x21: {  	s3 =	sadd.s32 s3, s9;
	s6 =	sadd.s32 @!p0 $0x88, s6;
	s7 =	simm.s32 @p2 $0x1082  }
0x22: {  	[simem:s7], [sflag:s8] =	dma.local @!p0 [hbm:s6], $0xF7A  }
0x23: {  	s9 =	sor.u32 $0xD0000000, s2;
	s6 =	simm.s32 $0x108;
	_ =	swait.ge @!p0 [sflag:s8], $0x0  }
0x24: {  	s3 =	sadd.s32 $0x88, s3;
	s6 =	simm.s32 @!p1 $0x1082;
	[sflag:s4] =	ssyncset.s32 $0xFFFFF086  }
0x25: {  	[simem:s6], [sflag:s4] =	dma.local [hbm:s3], $0xF7A  }
0x26: {  	[smem:$0x3F9F] =	sst s1;
	(tag) =	ssettag s2;
	_ =	strace s9  }
0x27: {  	s1 =	sld [smem:$0x3FAF]  }
0x28: {  	s2 =	sld [smem:$0x3FB0]  }
0x29: {  	s4 =	sld [smem:$0x3FB2]  }
0x2a: {  	p0 =	seq.s32 s5, $0x0;
	s5 =	sld [smem:$0x3FB3]  }
0x2b: {  	s6 =	sld [smem:$0x3FB4]  }
0x2c: {  	s7 =	sld [smem:$0x3FB5]  }
0x2d: {  	s3 =	simm.s32 $0x108;
	s8 =	sld [smem:$0x3FB6]  }
0x2e: {  	s3 =	simm.s32 @!p0 $0x1082;
	s9 =	sld [smem:$0x3FB7]  }
0x2f: {  	lr =	sadd.s32 s0, s3;
	s0 =	sld [smem:$0x3FAE]  }
0x30: {  	s3 =	sld [smem:$0x3FB1]  }
0x31: {  	[smem:$0x3FBA] =	sst s10  }
0x32: {  	s10 =	sld [smem:$0x3FB8];
	_ =	sdelay $0x3  }
0x33: {  	p0 =	seq.s32 s10, $0x1;
	s10 =	sld [smem:$0x3FBA];
	_ =	sdelay $0x3  }
0x34: {  	[smem:$0x3FBA] =	sst s10  }
0x35: {  	s10 =	sld [smem:$0x3FB9];
	_ =	sdelay $0x3  }
0x36: {  	p1 =	seq.s32 s10, $0x1;
	s10 =	sld [smem:$0x3FBA];
	_ =	sdelay $0x3  }
0x37: {  	[smem:$0x3FBA] =	sst s10  }
0x38: {  	s10 =	sld [smem:$0x3FBB]  }
0x39: {  	_ = 	snop;
	(pc) =	sbr.ind lr, $3  }
0x3a: {  	_ = 	snop  }
0x3b: {  	_ = 	snop  }
0x3c: {  	p2 =	seq.s32 s10, $0x1;
	s10 =	sld [smem:$0x3FBA]  }
0x3d: {  	_ =	shalt  }
0x3e: {  	_ =	shalt  }
0x3f: {  	_ =	shalt  }
0x40: {  	_ =	shalt  }
0x41: {  	_ =	shalt  }
0x42: {  	_ =	shalt  }
0x43: {  	_ =	shalt  }
0x44: {  	_ =	shalt  }
0x45: {  	_ =	shalt  }
0x46: {  	_ =	shalt  }
0x47: {  	_ =	shalt  }
0x48: {  	_ =	shalt  }
0x49: {  	_ =	shalt  }
0x4a: {  	_ =	shalt  }
0x4b: {  	_ =	shalt  }
0x4c: {  	_ =	shalt  }
0x4d: {  	_ =	shalt  }
0x4e: {  	_ =	shalt  }
0x4f: {  	_ =	shalt  }
0x50: {  	_ =	shalt  }
0x51: {  	_ =	shalt  }
0x52: {  	_ =	shalt  }
0x53: {  	_ =	shalt  }
0x54: {  	_ =	shalt  }
0x55: {  	_ =	shalt  }
0x56: {  	_ =	shalt  }
0x57: {  	_ =	shalt  }
0x58: {  	_ =	shalt  }
0x59: {  	_ =	shalt  }
0x5a: {  	_ =	shalt  }
0x5b: {  	_ =	shalt  }
0x5c: {  	_ =	shalt  }
0x5d: {  	_ =	shalt  }
0x5e: {  	_ =	shalt  }
0x5f: {  	_ =	shalt  }
0x60: {  	_ =	shalt  }
0x61: {  	_ =	shalt  }
0x62: {  	_ =	shalt  }
0x63: {  	_ =	shalt  }
0x64: {  	_ =	shalt  }
0x65: {  	_ =	shalt  }
0x66: {  	_ =	shalt  }
0x67: {  	_ =	shalt  }
0x68: {  	_ =	shalt  }
0x69: {  	_ =	shalt  }
0x6a: {  	_ =	shalt  }
0x6b: {  	_ =	shalt  }
0x6c: {  	_ =	shalt  }
0x6d: {  	_ =	shalt  }
0x6e: {  	_ =	shalt  }
0x6f: {  	_ =	shalt  }
0x70: {  	_ =	shalt  }
0x71: {  	_ =	shalt  }
0x72: {  	_ =	shalt  }
0x73: {  	_ =	shalt  }
0x74: {  	_ =	shalt  }
0x75: {  	_ =	shalt  }
0x76: {  	_ =	shalt  }
0x77: {  	_ =	shalt  }
0x78: {  	_ =	shalt  }
0x79: {  	_ =	shalt  }
0x7a: {  	_ =	shalt  }
0x7b: {  	_ =	shalt  }
0x7c: {  	_ =	shalt  }
0x7d: {  	_ =	shalt  }
0x7e: {  	_ =	shalt  }
0x7f: {  	_ =	shalt  }
0x80: {  	_ =	shalt  }
0x81: {  	_ =	shalt  }
0x82: {  	_ =	shalt  }
0x83: {  	_ =	shalt  }
0x84: {  	_ =	shalt  }
0x85: {  	_ =	shalt  }
0x86: {  	_ =	shalt  }
0x87: {  	_ =	shalt  }
.Lfunc_end0:
.L_simem_size_0:
called_computation_lowered:
.L_overlay_start_0:
0x88: {  	s2 =	sld [smem:$0x3FD9]  }
0x89: {  	s3 =	sld [smem:$0x3FFE];
	_ =	sdelay $0x1  }
0x8a: {  	s1 =	srdreg.scid  }
0x8b: {  	s0 =	sand.u32 $0x1, s1  }
0x8c: {  	s17 =	sshll.u32 s0, $0xA;
	s2 =	sadd.s32 s3, s2  }
0x8d: {  	s2 =	sadd.s32 s2, s17  }
0x8e: {  	[smem:$0x3FC6] =	sst s2  }
0x8f: {  	_ = 	snop  }
0x90: {  	s2 =	sld [smem:$0x3FC8];
	(tm) =	ssettm $0x1  }
0x91: {  	s18 =	sld [smem:$0x3FFB];
	_ =	sdelay $0x3  }
0x92: {  	_ =	strace s18  }
0x93: {  	s3 =	sld [smem:$0x3FFC];
	_ =	sdelay $0x3  }
0x94: {  	_ =	strace s3  }
0x95: {  	s3 =	sld [smem:$0x3FFD];
	_ =	sdelay $0x3  }
0x96: {  	_ =	strace s3  }
0x97: {  	_ =	strace $0x8FFFFFFF  }
0x98: {  	s19 =	sld [smem:$0x3FDB];
	_ =	sdelay $0x1  }
0x99: {  	s4 =	simm.s32 $_scs_section_size  }
0x9a: {  	s5 =	simm.s32 $_size__tile_overlayer_lowered;
	s6 =	simm.s32 $_tile_overlayer_lowered  }
0x9b: {  	s22 =	simm.s32 $0x1BFF;
	s21 =	sshll.u32 s6, $0x1;
	s3 =	sadd.s32 s4, s19  }
0x9c: {  	s7 =	simm.s32 $0x0;
	s20 =	sshll.u32 s5, $0x1;
	s5 =	sadd.s32 s21, s3  }
0x9d: {  	[timem:s7], [sflag:s22] =	dma.local [hbm:s5], s20  }
0x9e: {  	_ =	swait.ge [sflag:s22], s20  }
0x9f: {  	s4 =	ssub.s32 $0x0, s20;
	[sflag:s22] =	ssyncset.done $0x0  }
0xa0: {  	[sflag:s22] =	ssyncadd.s32 s4;
	_ =	sdelay $0x1  }
0xa1: {  	s23 =	simm.s32 $0x1B8B  }
0xa2: {  	_ =	swait.ge [sflag:s23], $0x1  }
0xa3: {  	[sflag:s23] =	ssyncset.done $0x0  }
0xa4: {  	s25 =	simm.s32 $0x1B8E;
	s24 =	sld [smem:$0x3FFE];
	[sflag:s23] =	ssyncadd.s32 $0xFFFFFFFF  }
0xa5: {  	s26 =	simm.s32 $execute0_lowered;
	[smem:$0x3FD2] =	sst s25  }
0xa6: {  	s5 =	sshll.u32 s26, $0x1;
	_ =	strace $0x80000046;
	[dreg:$0x1] =	wrdreg $0xFFFFFFFF  }
0xa7: {  	s28 =	simm.s32 $_size_execute0_lowered;
	s3 =	sadd.s32 s3, s5;
	[dreg:$0x0] =	wrdreg $0x0  }
0xa8: {  	s5 =	sshll.u32 s28, $0x1;
	[dreg:$0x2] =	wrdreg s3  }
0xa9: {  	[dreg:$0x3] =	wrdreg s5  }
0xaa: {  	[dreg:$0x4] =	wrdreg $0xC0  }
0xab: {  	_ =	task [dreg:s7], $0x5FFFF  }
0xac: {  	[dreg:$0x1] =	wrdreg $0xFFFFFFFF  }
0xad: {  	[dreg:$0x0] =	wrdreg $0x60  }
0xae: {  	[dreg:$0x2] =	wrdreg s24  }
0xaf: {  	[dreg:$0x3] =	wrdreg s2  }
0xb0: {  	[dreg:$0x4] =	wrdreg $0x9  }
0xb1: {  	_ =	task.clear_ibuf [dreg:s7], $0x5FFFF;
	_ =	strace $0x90000046  }
0xb2: {  	s29 =	simm.s32 $0x9;
	_ =	strace $0x80000048  }
0xb3: {  	_ =	swait.ge [sflag:s29], $0x1  }
0xb4: {  	[sflag:s29] =	ssyncadd.s32 $0xFFFFFFFF  }
0xb5: {  	_ =	strace $0x90000048  }
0xb6: {  	_ =	sfence  }
0xb7: {  	s30 =	sld [smem:$0x0];
	_ =	sdelay $0x2  }
0xb8: {  	s31 =	sshll.u32 s1, $0xD;
	s1 =	sshrl.u32 s1, $0x2  }
0xb9: {  	s3 =	sand.u32 $0x4000, s31;
	s1 =	sadd.s32 s1, s30  }
0xba: {  	s0 =	sor.u32 s3, s0;
	s1 =	sshll.u32 s1, $0x11  }
0xbb: {  	s0 =	sor.u32 s1, s0  }
0xbc: {  	s0 =	sadd.s32 $0x8F2B, s0  }
0xbd: {  	[sflag:s0] =	ssyncadd.remote.s32 $0x1  }
0xbe: {  	_ =	sfence.sel $0xFFFF  }
0xbf: {  	[dreg:$0x0] =	wrdreg $0xFFFFFFFF;
	(pc) =	sbr.abs _section_cstart, $3  }
0xc0: {  	[dreg:$0x1] =	wrdreg $0xFFFFFFFF  }
0xc1: {  	_ =	task.clear_ibuf [dreg:s7], $0x2FFFF;
	_ =	strace $0x9FFFFFFF  }
0xc2: {  	(tm) =	ssettm $0x7FFFFFFF  }
0xc3: {  	_ =	shalt  }
tec
execute0_lowered:
.L_overlay_start_1:
0x0: {  	(tag) =	ssettag $0x1  }
0x1: {  	s4 =	rddreg [dreg:$0x0];
	s0 =	srdreg.scid  }
0x2: {  	s2 =	rddreg [dreg:$0x1];
	s1 =	stileid.u32;
	s3 =	simm.s32 $0x0  }
0x3: {  	s8 =	simm.s32 $0x10000;
	s9 =	simm.s32 $0x1;
	s10 =	simm.s32 $0x2  }
0x4: {  	s11 =	simm.s32 $0x8000;
	s12 =	simm.s32 $0x3;
	s5 =	sand.u32 $0x1, s0  }
0x5: {  	s13 =	simm.s32 $0x0;
	s6 =	sshll.u32 s1, $0xE;
	s7 =	sshll.u32 s5, $0xD  }
0x6: {  	s0 =	rddreg [dreg:$0x2];
	s5 =	ssub.s32 $0x2, s5;
	s6 =	sor.u32 s7, s6  }
0x7: {  	[smem:$0x7FF] =	sst s3;
	s30 =	sshrl.u32 s5, $0x1;
	s6 =	sadd.s32 s6, s4  }
0x8: {  	v0 =	vlaneseq.u32;
	_ =	strace $0x80000047;
	s31 =	ssub.s32 s5, s30;
	s4 =	sadd.s32 $0x400, s6  }
0x9: {  	v0 =	vmul.u32 $0x80, v0;
	s5 =	sadd.s32 $0x40400, s6;
	s6 =	sadd.s32 $0x41400, s6;
	s7 =	smax.u32 s31, $0x1  }
.LBB2_1:
0xa: {  	[tilespmem:s8], [sflag:$0x1] =	stream.linear.gather [hbm4b:s2+s3], $0x180, $0x38;
	[tilespmem:$0x10180] =	vst v63  }
0xb: {  	s14 =	simm.s32 $0x20  }
0xc: {  	s15 =	simm.s32 $0x0;
	s26 =	simm.s32 $0x10;
	v1 =	vmov s14  }
0xd: {  	v2 =	vmov s15;
	[tilespmem:s3], [sflag:$0x2] =	stream.linear.gather [hbm4b:s4+s3], $0x10000, $0x38;
	v1 =	vshll.u32 v1, $0x7;
	[tilespmem:$0x10180] =	vst v63  }
0xe: {  	v3 =	vmov s26;
	v2 =	vshll.u32 v2, $0x7;
	_ =	swait.ge [sflag:s9], $0x180;
	v1 =	vor.u32 v0, v1  }
0xf: {  	v3 =	vshll.u32 v3, $0x7;
	v2 =	vor.u32 v0, v2;
	[sflag:s9] =	ssyncset.done $0x0;
	v19 =	vor.u32 $0x1, v1  }
0x10: {  	v3 =	vor.u32 v0, v3;
	v1 =	vor.u32 $0x1, v2;
	[sflag:s9] =	ssyncadd.s32 $0xFFFFFE80  }
0x11: {  	v2 =	vor.u32 $0x1, v3;
	_ =	swait.ge [sflag:s10], $0x10000  }
0x12: {  	[sflag:s10] =	ssyncset.done $0x0  }
0x13: {  	[sflag:s10] =	ssyncadd.s32 $0xFFFF0000  }
0x14: {  	v18 =	vld.idx.msk [tilespmem:v19+s3+$0x0], $0xffff  }
0x15: {  	s28 =	simm.s32 $0x30;
	v8 =	vld.idx.msk [tilespmem:v1+s3+$0x0], $0xffff  }
0x16: {  	v3 =	vmov s28;
	v10 =	vld.idx.msk [tilespmem:v2+s3+$0x0], $0xffff  }
0x17: {  	v3 =	vshll.u32 v3, $0x7  }
0x18: {  	v3 =	vor.u32 v0, v3  }
0x19: {  	v3 =	vor.u32 $0x1, v3;
	v4 =	vtrunc.f32 v18  }
0x1a: {  	v5 =	vtrunc.f32 v8;
	v7 =	vcvt.f32.s32 v4  }
0x1b: {  	v11 =	vcvt.f32.s32 v5;
	v4 =	vtrunc.f32 v10  }
0x1c: {  	v12 =	vcvt.f32.s32 v4;
	v4 =	vadd.s32 $0x1, v7  }
0x1d: {  	vm0 =	vlt.s32 v4, $0x100  }
0x1e: {  	v9 =	vld.idx.msk [tilespmem:v3+s3+$0x0], $0xffff;
	v5 =	vadd.s32 $0x1, v11;
	v4 =	vnsel vm0, $0x100, v4  }
0x1f: {  	vm1 =	vlt.s32 v5, $0x100;
	v6 =	vadd.s32 $0x1, v12  }
0x20: {  	s29 =	simm.s32 $0x60;
	s16 =	simm.s32 $0x40;
	v13 =	vnsel vm1, $0x100, v5;
	vm0 =	vlt.s32 v6, $0x100  }
0x21: {  	s31 =	simm.s32 $0x50;
	v17 =	vmov s16;
	v5 =	vmov s29;
	v14 =	vnsel vm0, $0x100, v6;
	v16 =	vld.idx.msk [tilespmem:v11+s8+$0x0], $0xffff  }
0x22: {  	v21 =	vmov s31;
	v17 =	vshll.u32 v17, $0x7;
	v5 =	vshll.u32 v5, $0x7;
	v20 =	vld.idx.msk [tilespmem:v7+s8+$0x0], $0xffff  }
0x23: {  	s30 =	simm.s32 $0x70;
	v17 =	vor.u32 v0, v17;
	v15 =	vtrunc.f32 v9;
	v5 =	vor.u32 v0, v5;
	v22 =	vld.idx.msk [tilespmem:v4+s8+$0x0], $0xffff  }
0x24: {  	v6 =	vmov s30;
	v5 =	vor.u32 $0x1, v5;
	v23 =	vld.idx.msk [tilespmem:v12+s8+$0x0], $0xffff;
	v4 =	vshll.u32 v21, $0x7  }
0x25: {  	v21 =	vld.idx.msk [tilespmem:v13+s8+$0x0], $0xffff;
	v13 =	vshll.u32 v6, $0x7;
	v6 =	vor.u32 $0x1, v17;
	v4 =	vor.u32 v0, v4  }
0x26: {  	v17 =	vld.idx.msk [tilespmem:v14+s8+$0x0], $0xffff;
	v13 =	vor.u32 v0, v13;
	v14 =	vcvt.s32.f32 v7;
	v4 =	vor.u32 $0x1, v4  }
0x27: {  	v24 =	vcvt.f32.s32 v15;
	v7 =	vor.u32 $0x1, v13  }
0x28: {  	v11 =	vcvt.s32.f32 v11;
	v15 =	vsub.f32 v18, v14;
	v22 =	vsub.f32 v22, v20  }
0x29: {  	v25 =	vadd.s32 $0x1, v24;
	v12 =	vcvt.s32.f32 v12;
	v13 =	vld.idx.msk [tilespmem:v5+s3+$0x0], $0xffff  }
0x2a: {  	v26 =	vsub.f32 v8, v11;
	v14 =	vld.idx.msk [tilespmem:v6+s3+$0x0], $0xffff;
	v21 =	vsub.f32 v21, v16;
	v15 =	vmul.f32 v22, v15  }
0x2b: {  	v27 =	vsub.f32 v10, v12;
	v17 =	vsub.f32 v17, v23;
	v22 =	vcvt.s32.f32 v24;
	v12 =	vld.idx.msk [tilespmem:v4+s3+$0x0], $0xffff  }
0x2c: {  	vm0 =	vlt.s32 v25, $0x100;
	v11 =	vld.idx.msk [tilespmem:v7+s3+$0x0], $0xffff;
	v21 =	vmul.f32 v21, v26;
	v20 =	vadd.f32 v15, v20  }
0x2d: {  	v26 =	vnsel vm0, $0x100, v25;
	v15 =	vsub.f32 v9, v22;
	v22 =	vmul.f32 v17, v27  }
0x2e: {  	v17 =	vadd.f32 v21, v16;
	v16 =	vtrunc.f32 v13;
	v25 =	vmul.f32 $5.000000070e-02, v20  }
0x2f: {  	v21 =	vtrunc.f32 v14;
	v20 =	vcvt.f32.s32 v16;
	v16 =	vadd.f32 v22, v23  }
0x30: {  	v21 =	vcvt.f32.s32 v21;
	v22 =	vtrunc.f32 v12;
	v28 =	vadd.f32 v25, v18  }
0x31: {  	v22 =	vcvt.f32.s32 v22;
	v25 =	vadd.s32 $0x1, v20;
	v18 =	vtrunc.f32 v11  }
0x32: {  	v29 =	vadd.s32 $0x1, v21;
	vm0 =	vlt.s32 v25, $0x100;
	v23 =	vcvt.f32.s32 v18  }
0x33: {  	v18 =	vld.idx.msk [tilespmem:v24+s8+$0x0], $0xffff;
	vm1 =	vlt.s32 v29, $0x100;
	v25 =	vnsel vm0, $0x100, v25;
	v27 =	vadd.s32 $0x1, v22  }
0x34: {  	s14 =	simm.s32 $0x4;
	s15 =	simm.s32 $0xB0;
	[tilespmem:v19+s3+$0x0] =	vst.idx.msk $0xffff, v28;
	v19 =	vld.idx.msk [tilespmem:v26+s8+$0x0], $0xffff;
	v26 =	vnsel vm1, $0x100, v29;
	vm0 =	vlt.s32 v27, $0x100;
	v24 =	vadd.s32 $0x1, v23  }
.LBB2_2:
0x35: {  	s16 =	sadd.s32 $0xFFFFFFE0, s15;
	s17 =	sadd.s32 $0xFFFFFFF0, s15;
	v28 =	vmov s15;
	s14 =	sadd.s32 $0x4, s14;
	v27 =	vnsel vm0, $0x100, v27;
	vm0 =	vlt.s32 v24, $0x100  }
0x36: {  	s18 =	sadd.s32 $0xFFFFFFD0, s15;
	v29 =	vmov s16;
	v30 =	vmov s17;
	v28 =	vshll.u32 v28, $0x7;
	p0 =	slt.u32 s14, $0xC;
	v31 =	vld.idx.msk [tilespmem:v21+s8+$0x0], $0xffff  }
0x37: {  	v32 =	vmov s18;
	v29 =	vshll.u32 v29, $0x7;
	v30 =	vshll.u32 v30, $0x7;
	v33 =	vld.idx.msk [tilespmem:v20+s8+$0x0], $0xffff  }
0x38: {  	v32 =	vshll.u32 v32, $0x7;
	v29 =	vor.u32 v0, v29;
	v30 =	vor.u32 v0, v30;
	v25 =	vld.idx.msk [tilespmem:v25+s8+$0x0], $0xffff  }
0x39: {  	v28 =	vor.u32 v0, v28;
	v32 =	vor.u32 v0, v32;
	v30 =	vor.u32 $0x1, v30;
	v26 =	vld.idx.msk [tilespmem:v26+s8+$0x0], $0xffff  }
0x3a: {  	v28 =	vor.u32 $0x1, v28;
	v32 =	vor.u32 $0x1, v32;
	v29 =	vor.u32 $0x1, v29;
	v27 =	vld.idx.msk [tilespmem:v27+s8+$0x0], $0xffff  }
0x3b: {  	v34 =	vcvt.s32.f32 v22;
	v21 =	vcvt.s32.f32 v21;
	v24 =	vnsel vm0, $0x100, v24;
	v22 =	vld.idx.msk [tilespmem:v22+s8+$0x0], $0xffff  }
0x3c: {  	v35 =	vcvt.s32.f32 v23;
	v19 =	vsub.f32 v19, v18;
	v20 =	vcvt.s32.f32 v20;
	v23 =	vld.idx.msk [tilespmem:v23+s8+$0x0], $0xffff  }
0x3d: {  	v17 =	vmul.f32 $5.000000070e-02, v17;
	v34 =	vsub.f32 v12, v34;
	v21 =	vsub.f32 v14, v21  }
0x3e: {  	v19 =	vmul.f32 v19, v15;
	v20 =	vsub.f32 v13, v20;
	v25 =	vsub.f32 v25, v33;
	v36 =	vld.idx.msk [tilespmem:v30+s3+$0x0], $0xffff  }
0x3f: {  	v16 =	vmul.f32 $5.000000070e-02, v16;
	v15 =	vsub.f32 v11, v35;
	v26 =	vsub.f32 v26, v31;
	v37 =	vld.idx.msk [tilespmem:v32+s3+$0x0], $0xffff  }
0x40: {  	v8 =	vadd.f32 v17, v8;
	v17 =	vadd.f32 v19, v18;
	v20 =	vmul.f32 v25, v20;
	v35 =	vld.idx.msk [tilespmem:v29+s3+$0x0], $0xffff  }
0x41: {  	v10 =	vadd.f32 v16, v10;
	v18 =	vmul.f32 v26, v21;
	v21 =	vsub.f32 v27, v22;
	v38 =	vld.idx.msk [tilespmem:v28+s3+$0x0], $0xffff  }
0x42: {  	v26 =	vmul.f32 $5.000000070e-02, v17;
	v16 =	vadd.f32 v20, v33;
	v19 =	vld.idx.msk [tilespmem:v24+s8+$0x0], $0xffff;
	[tilespmem:v1+s3+$0x0] =	vst.idx.msk $0xffff, v8;
	v1 =	vmov v6  }
0x43: {  	v17 =	vadd.f32 v18, v31;
	v25 =	vmul.f32 v21, v34;
	v6 =	vmov v32;
	[tilespmem:v2+s3+$0x0] =	vst.idx.msk $0xffff, v10  }
0x44: {  	v9 =	vadd.f32 v26, v9;
	v10 =	vtrunc.f32 v36;
	v24 =	vmul.f32 $5.000000070e-02, v16;
	v2 =	vmovc v4;
	v4 =	vmovc v29  }
0x45: {  	v8 =	vmovc v14;
	v21 =	vtrunc.f32 v37;
	v20 =	vcvt.f32.s32 v10;
	v16 =	vadd.f32 v25, v22;
	v18 =	vmovc v23  }
.Ltmp0:
0x46: {  	v21 =	vcvt.f32.s32 v21;
	v10 =	vtrunc.f32 v35;
	v25 =	vadd.f32 v24, v13;
	[tilespmem:v3+s3+$0x0] =	vst.idx.msk $0xffff, v9;
	v3 =	vmovc v7;
	(pc) =	sbr.rel @p0 .LBB2_2-.Ltmp0, $4  }
0x47: {  	v13 =	vmovc v36;
	v22 =	vcvt.f32.s32 v10;
	v9 =	vadd.s32 $0x1, v20;
	v26 =	vtrunc.f32 v38;
	v7 =	vmovc v28  }
0x48: {  	v14 =	vmovc v37;
	v24 =	vadd.s32 $0x1, v21;
	vm0 =	vlt.s32 v9, $0x100;
	v23 =	vcvt.f32.s32 v26;
	[tilespmem:v5+s3+$0x0] =	vst.idx.msk $0xffff, v25;
	v5 =	vmovc v30  }
0x49: {  	vm1 =	vlt.s32 v24, $0x100;
	v27 =	vadd.s32 $0x1, v22;
	v25 =	vnsel vm0, $0x100, v9;
	v10 =	vmovc v12;
	v12 =	vmovc v35  }
0x4a: {  	s15 =	sadd.s32 $0x40, s15;
	v26 =	vnsel vm1, $0x100, v24;
	vm0 =	vlt.s32 v27, $0x100;
	v24 =	vadd.s32 $0x1, v23;
	v9 =	vmovc v11;
	v11 =	vmovc v38  }
0x4b: {  	_ =	sdelay $0x3  }
0x4c: {  	v28 =	vld.idx.msk [tilespmem:v21+s8+$0x0], $0xffff  }
0x4d: {  	v27 =	vnsel vm0, $0x100, v27;
	vm0 =	vlt.s32 v24, $0x100;
	v29 =	vld.idx.msk [tilespmem:v20+s8+$0x0], $0xffff  }
0x4e: {  	v25 =	vld.idx.msk [tilespmem:v25+s8+$0x0], $0xffff;
	v24 =	vnsel vm0, $0x100, v24  }
0x4f: {  	v26 =	vld.idx.msk [tilespmem:v26+s8+$0x0], $0xffff  }
0x50: {  	v30 =	vld.idx.msk [tilespmem:v22+s8+$0x0], $0xffff  }
0x51: {  	v31 =	vld.idx.msk [tilespmem:v23+s8+$0x0], $0xffff  }
0x52: {  	v21 =	vcvt.s32.f32 v21;
	v27 =	vld.idx.msk [tilespmem:v27+s8+$0x0], $0xffff  }
0x53: {  	v22 =	vcvt.s32.f32 v22;
	v20 =	vcvt.s32.f32 v20;
	v24 =	vld.idx.msk [tilespmem:v24+s8+$0x0], $0xffff  }
0x54: {  	v19 =	vsub.f32 v19, v18;
	v23 =	vcvt.s32.f32 v23;
	v21 =	vsub.f32 v14, v21  }
0x55: {  	v22 =	vsub.f32 v12, v22;
	v20 =	vsub.f32 v13, v20  }
0x56: {  	v15 =	vmul.f32 v19, v15;
	v23 =	vsub.f32 v11, v23;
	v25 =	vsub.f32 v25, v29  }
0x57: {  	v17 =	vmul.f32 $5.000000070e-02, v17;
	v19 =	vsub.f32 v26, v28;
	v26 =	vsub.f32 v27, v30  }
0x58: {  	v15 =	vadd.f32 v15, v18;
	v20 =	vmul.f32 v25, v20;
	v24 =	vsub.f32 v24, v31  }
0x59: {  	v8 =	vadd.f32 v17, v8;
	v17 =	vmul.f32 v19, v21;
	v19 =	vmul.f32 v26, v22  }
0x5a: {  	v15 =	vmul.f32 $5.000000070e-02, v15;
	v18 =	vadd.f32 v20, v29;
	v20 =	vmul.f32 v24, v23  }
0x5b: {  	v16 =	vmul.f32 $5.000000070e-02, v16;
	v17 =	vadd.f32 v17, v28;
	v19 =	vadd.f32 v19, v30  }
0x5c: {  	[tilespmem:v1+s3+$0x0] =	vst.idx.msk $0xffff, v8;
	v1 =	vadd.f32 v15, v9;
	v18 =	vmul.f32 $5.000000070e-02, v18;
	v20 =	vadd.f32 v20, v31  }
0x5d: {  	s15 =	simm.s32 $0x100;
	v10 =	vadd.f32 v16, v10;
	v16 =	vmul.f32 $5.000000070e-02, v17;
	v17 =	vmul.f32 $5.000000070e-02, v19  }
0x5e: {  	s14 =	simm.s32 $0x120;
	[tilespmem:v3+s3+$0x0] =	vst.idx.msk $0xffff, v1;
	v1 =	vmov s15;
	v9 =	vmul.f32 $5.000000070e-02, v20  }
0x5f: {  	[tilespmem:v2+s3+$0x0] =	vst.idx.msk $0xffff, v10;
	v8 =	vadd.f32 v18, v13;
	v10 =	vadd.f32 v17, v12;
	v12 =	vmov s14  }
0x60: {  	s26 =	simm.s32 $0x110;
	v2 =	vadd.f32 v16, v14;
	v3 =	vadd.f32 v9, v11;
	v9 =	vshll.u32 v12, $0x7  }
0x61: {  	v1 =	vshll.u32 v1, $0x7;
	[tilespmem:v5+s3+$0x0] =	vst.idx.msk $0xffff, v8;
	v5 =	vmov s26;
	v8 =	vor.u32 v0, v9  }
0x62: {  	v1 =	vor.u32 v0, v1;
	[tilespmem:v6+s3+$0x0] =	vst.idx.msk $0xffff, v2;
	v2 =	vshll.u32 v5, $0x7;
	v24 =	vor.u32 $0x1, v8  }
0x63: {  	v1 =	vor.u32 $0x1, v1;
	v2 =	vor.u32 v0, v2  }
0x64: {  	v2 =	vor.u32 $0x1, v2;
	[tilespmem:v4+s3+$0x0] =	vst.idx.msk $0xffff, v10  }
0x65: {  	[tilespmem:v7+s3+$0x0] =	vst.idx.msk $0xffff, v3  }
0x66: {  	[hbm4b:s5+s3] =	stream.linear.scatter [tilespmem:s3], [sflag:$0x3], $0x8000, $0x38;
	[tilespmem:$0x10180] =	vst v63  }
0x67: {  	v18 =	vld.idx.msk [tilespmem:v24+s3+$0x0], $0xffff  }
0x68: {  	v7 =	vld.idx.msk [tilespmem:v1+s3+$0x0], $0xffff  }
0x69: {  	v12 =	vld.idx.msk [tilespmem:v2+s3+$0x0], $0xffff  }
0x6a: {  	s28 =	simm.s32 $0x130  }
0x6b: {  	v3 =	vmov s28  }
0x6c: {  	v3 =	vshll.u32 v3, $0x7;
	v4 =	vtrunc.f32 v18  }
0x6d: {  	v3 =	vor.u32 v0, v3;
	v5 =	vtrunc.f32 v7;
	v8 =	vcvt.f32.s32 v4  }
0x6e: {  	v3 =	vor.u32 $0x1, v3;
	v10 =	vcvt.f32.s32 v5;
	v4 =	vtrunc.f32 v12  }
0x6f: {  	v11 =	vcvt.f32.s32 v4;
	v4 =	vadd.s32 $0x1, v8  }
0x70: {  	v5 =	vadd.s32 $0x1, v10;
	vm0 =	vlt.s32 v4, $0x100  }
0x71: {  	vm1 =	vlt.s32 v5, $0x100;
	v6 =	vadd.s32 $0x1, v11;
	v4 =	vnsel vm0, $0x100, v4  }
0x72: {  	s29 =	simm.s32 $0x160;
	v5 =	vnsel vm1, $0x100, v5;
	vm0 =	vlt.s32 v6, $0x100  }
0x73: {  	s30 =	simm.s32 $0x170;
	s16 =	simm.s32 $0x140;
	v9 =	vld.idx.msk [tilespmem:v3+s3+$0x0], $0xffff;
	v13 =	vnsel vm0, $0x100, v6;
	v6 =	vmov s29  }
0x74: {  	s31 =	simm.s32 $0x150;
	v15 =	vmov s30;
	v17 =	vmov s16;
	v16 =	vld.idx.msk [tilespmem:v10+s8+$0x0], $0xffff;
	v6 =	vshll.u32 v6, $0x7  }
0x75: {  	v20 =	vmov s31;
	v17 =	vshll.u32 v17, $0x7;
	v19 =	vld.idx.msk [tilespmem:v8+s8+$0x0], $0xffff;
	v6 =	vor.u32 v0, v6  }
0x76: {  	v20 =	vshll.u32 v20, $0x7;
	v17 =	vor.u32 v0, v17;
	v21 =	vld.idx.msk [tilespmem:v4+s8+$0x0], $0xffff;
	v4 =	vor.u32 $0x1, v6  }
0x77: {  	v22 =	vld.idx.msk [tilespmem:v5+s8+$0x0], $0xffff;
	v5 =	vshll.u32 v15, $0x7;
	v15 =	vor.u32 v0, v20;
	v6 =	vor.u32 $0x1, v17  }
0x78: {  	v17 =	vld.idx.msk [tilespmem:v13+s8+$0x0], $0xffff;
	v13 =	vor.u32 v0, v5;
	v5 =	vor.u32 $0x1, v15  }
0x79: {  	v23 =	vld.idx.msk [tilespmem:v11+s8+$0x0], $0xffff;
	v15 =	vcvt.s32.f32 v8  }
0x7a: {  	v14 =	vtrunc.f32 v9;
	v10 =	vcvt.s32.f32 v10;
	v8 =	vor.u32 $0x1, v13  }
0x7b: {  	v11 =	vcvt.s32.f32 v11;
	v15 =	vsub.f32 v18, v15;
	v20 =	vsub.f32 v21, v19;
	v13 =	vld.idx.msk [tilespmem:v4+s3+$0x0], $0xffff  }
0x7c: {  	v25 =	vcvt.f32.s32 v14;
	v26 =	vsub.f32 v7, v10;
	v14 =	vld.idx.msk [tilespmem:v6+s3+$0x0], $0xffff  }
0x7d: {  	v27 =	vsub.f32 v12, v11;
	v22 =	vsub.f32 v22, v16;
	v10 =	vld.idx.msk [tilespmem:v5+s3+$0x0], $0xffff;
	v15 =	vmul.f32 v20, v15  }
0x7e: {  	v21 =	vadd.s32 $0x1, v25;
	v17 =	vsub.f32 v17, v23;
	v20 =	vcvt.s32.f32 v25  }
0x7f: {  	v22 =	vmul.f32 v22, v26;
	vm0 =	vlt.s32 v21, $0x100;
	v11 =	vld.idx.msk [tilespmem:v8+s3+$0x0], $0xffff;
	v19 =	vadd.f32 v15, v19  }
0x80: {  	v17 =	vmul.f32 v17, v27;
	v15 =	vsub.f32 v9, v20;
	v20 =	vtrunc.f32 v13  }
0x81: {  	v26 =	vnsel vm0, $0x100, v21;
	v21 =	vtrunc.f32 v14;
	v19 =	vmul.f32 $5.000000070e-02, v19  }
0x82: {  	v16 =	vadd.f32 v22, v16;
	v20 =	vcvt.f32.s32 v20;
	v22 =	vtrunc.f32 v10  }
0x83: {  	v17 =	vadd.f32 v17, v23;
	v21 =	vcvt.f32.s32 v21;
	v22 =	vcvt.f32.s32 v22  }
0x84: {  	v28 =	vadd.f32 v19, v18;
	v19 =	vadd.s32 $0x1, v20;
	v18 =	vtrunc.f32 v11  }
0x85: {  	v29 =	vadd.s32 $0x1, v21;
	vm0 =	vlt.s32 v19, $0x100;
	v23 =	vcvt.f32.s32 v18  }
0x86: {  	v18 =	vld.idx.msk [tilespmem:v25+s8+$0x0], $0xffff;
	vm1 =	vlt.s32 v29, $0x100;
	v27 =	vadd.s32 $0x1, v22;
	v25 =	vnsel vm0, $0x100, v19  }
0x87: {  	s15 =	simm.s32 $0x1B0;
	s14 =	simm.s32 $0x14;
	v19 =	vld.idx.msk [tilespmem:v26+s8+$0x0], $0xffff;
	[tilespmem:v24+s3+$0x0] =	vst.idx.msk $0xffff, v28;
	v26 =	vnsel vm1, $0x100, v29;
	vm0 =	vlt.s32 v27, $0x100;
	v24 =	vadd.s32 $0x1, v23  }
.LBB2_4:
0x88: {  	s16 =	sadd.s32 $0xFFFFFFE0, s15;
	s17 =	sadd.s32 $0xFFFFFFF0, s15;
	v28 =	vmov s15;
	s14 =	sadd.s32 $0x4, s14;
	v27 =	vnsel vm0, $0x100, v27;
	vm0 =	vlt.s32 v24, $0x100  }
0x89: {  	s18 =	sadd.s32 $0xFFFFFFD0, s15;
	v29 =	vmov s16;
	v30 =	vmov s17;
	v28 =	vshll.u32 v28, $0x7;
	p0 =	slt.u32 s14, $0x1C;
	v31 =	vld.idx.msk [tilespmem:v21+s8+$0x0], $0xffff  }
0x8a: {  	v32 =	vmov s18;
	v29 =	vshll.u32 v29, $0x7;
	v30 =	vshll.u32 v30, $0x7;
	v33 =	vld.idx.msk [tilespmem:v20+s8+$0x0], $0xffff  }
0x8b: {  	v32 =	vshll.u32 v32, $0x7;
	v29 =	vor.u32 v0, v29;
	v30 =	vor.u32 v0, v30;
	v25 =	vld.idx.msk [tilespmem:v25+s8+$0x0], $0xffff  }
0x8c: {  	v28 =	vor.u32 v0, v28;
	v32 =	vor.u32 v0, v32;
	v30 =	vor.u32 $0x1, v30;
	v26 =	vld.idx.msk [tilespmem:v26+s8+$0x0], $0xffff  }
0x8d: {  	v28 =	vor.u32 $0x1, v28;
	v32 =	vor.u32 $0x1, v32;
	v29 =	vor.u32 $0x1, v29;
	v27 =	vld.idx.msk [tilespmem:v27+s8+$0x0], $0xffff  }
0x8e: {  	v34 =	vcvt.s32.f32 v22;
	v21 =	vcvt.s32.f32 v21;
	v24 =	vnsel vm0, $0x100, v24;
	v22 =	vld.idx.msk [tilespmem:v22+s8+$0x0], $0xffff  }
0x8f: {  	v35 =	vcvt.s32.f32 v23;
	v19 =	vsub.f32 v19, v18;
	v20 =	vcvt.s32.f32 v20;
	v23 =	vld.idx.msk [tilespmem:v23+s8+$0x0], $0xffff  }
0x90: {  	v16 =	vmul.f32 $5.000000070e-02, v16;
	v34 =	vsub.f32 v10, v34;
	v21 =	vsub.f32 v14, v21  }
0x91: {  	v19 =	vmul.f32 v19, v15;
	v20 =	vsub.f32 v13, v20;
	v25 =	vsub.f32 v25, v33;
	v36 =	vld.idx.msk [tilespmem:v30+s3+$0x0], $0xffff  }
0x92: {  	v17 =	vmul.f32 $5.000000070e-02, v17;
	v15 =	vsub.f32 v11, v35;
	v26 =	vsub.f32 v26, v31;
	v37 =	vld.idx.msk [tilespmem:v32+s3+$0x0], $0xffff  }
0x93: {  	v7 =	vadd.f32 v16, v7;
	v16 =	vadd.f32 v19, v18;
	v20 =	vmul.f32 v25, v20;
	v35 =	vld.idx.msk [tilespmem:v29+s3+$0x0], $0xffff  }
0x94: {  	v12 =	vadd.f32 v17, v12;
	v18 =	vmul.f32 v26, v21;
	v21 =	vsub.f32 v27, v22;
	v38 =	vld.idx.msk [tilespmem:v28+s3+$0x0], $0xffff  }
0x95: {  	v26 =	vmul.f32 $5.000000070e-02, v16;
	v17 =	vadd.f32 v20, v33;
	v19 =	vld.idx.msk [tilespmem:v24+s8+$0x0], $0xffff;
	[tilespmem:v1+s3+$0x0] =	vst.idx.msk $0xffff, v7;
	v1 =	vmov v6  }
0x96: {  	v16 =	vadd.f32 v18, v31;
	v25 =	vmul.f32 v21, v34;
	v6 =	vmov v32;
	[tilespmem:v2+s3+$0x0] =	vst.idx.msk $0xffff, v12  }
0x97: {  	v9 =	vadd.f32 v26, v9;
	v12 =	vtrunc.f32 v36;
	v24 =	vmul.f32 $5.000000070e-02, v17;
	v2 =	vmovc v5;
	v5 =	vmovc v29  }
0x98: {  	v7 =	vmovc v14;
	v21 =	vtrunc.f32 v37;
	v20 =	vcvt.f32.s32 v12;
	v17 =	vadd.f32 v25, v22;
	v18 =	vmovc v23  }
.Ltmp1:
0x99: {  	v21 =	vcvt.f32.s32 v21;
	v12 =	vtrunc.f32 v35;
	v25 =	vadd.f32 v24, v13;
	[tilespmem:v3+s3+$0x0] =	vst.idx.msk $0xffff, v9;
	v3 =	vmovc v8;
	(pc) =	sbr.rel @p0 .LBB2_4-.Ltmp1, $4  }
0x9a: {  	v13 =	vmovc v36;
	v22 =	vcvt.f32.s32 v12;
	v9 =	vadd.s32 $0x1, v20;
	v26 =	vtrunc.f32 v38;
	v8 =	vmovc v28  }
0x9b: {  	v14 =	vmovc v37;
	v24 =	vadd.s32 $0x1, v21;
	vm0 =	vlt.s32 v9, $0x100;
	v23 =	vcvt.f32.s32 v26;
	[tilespmem:v4+s3+$0x0] =	vst.idx.msk $0xffff, v25;
	v4 =	vmovc v30  }
0x9c: {  	vm1 =	vlt.s32 v24, $0x100;
	v27 =	vadd.s32 $0x1, v22;
	v25 =	vnsel vm0, $0x100, v9;
	v12 =	vmovc v10;
	v10 =	vmovc v35  }
0x9d: {  	s15 =	sadd.s32 $0x40, s15;
	v26 =	vnsel vm1, $0x100, v24;
	vm0 =	vlt.s32 v27, $0x100;
	v24 =	vadd.s32 $0x1, v23;
	v9 =	vmovc v11;
	v11 =	vmovc v38  }
0x9e: {  	_ =	sdelay $0x3  }
0x9f: {  	v28 =	vld.idx.msk [tilespmem:v21+s8+$0x0], $0xffff  }
0xa0: {  	v27 =	vnsel vm0, $0x100, v27;
	vm15 =	vlt.s32 v24, $0x100;
	v29 =	vld.idx.msk [tilespmem:v20+s8+$0x0], $0xffff  }
0xa1: {  	v25 =	vld.idx.msk [tilespmem:v25+s8+$0x0], $0xffff;
	v24 =	vnsel vm15, $0x100, v24  }
0xa2: {  	v26 =	vld.idx.msk [tilespmem:v26+s8+$0x0], $0xffff  }
0xa3: {  	v30 =	vld.idx.msk [tilespmem:v22+s8+$0x0], $0xffff  }
0xa4: {  	v31 =	vld.idx.msk [tilespmem:v23+s8+$0x0], $0xffff  }
0xa5: {  	v50 =	vcvt.s32.f32 v21;
	v27 =	vld.idx.msk [tilespmem:v27+s8+$0x0], $0xffff  }
0xa6: {  	v51 =	vcvt.s32.f32 v22;
	v52 =	vcvt.s32.f32 v20;
	v19 =	vsub.f32 v19, v18;
	v24 =	vld.idx.msk [tilespmem:v24+s8+$0x0], $0xffff  }
0xa7: {  	v53 =	vcvt.s32.f32 v23;
	v16 =	vmul.f32 $5.000000070e-02, v16;
	v21 =	vsub.f32 v14, v50  }
0xa8: {  	v17 =	vmul.f32 $5.000000070e-02, v17;
	v20 =	vsub.f32 v13, v52;
	v25 =	vsub.f32 v25, v29  }
0xa9: {  	v22 =	vsub.f32 v10, v51;
	v15 =	vmul.f32 v19, v15;
	v54 =	vsub.f32 v26, v28  }
0xaa: {  	v23 =	vsub.f32 v11, v53;
	v20 =	vmul.f32 v25, v20;
	v55 =	vsub.f32 v27, v30  }
0xab: {  	v15 =	vadd.f32 v15, v18;
	v56 =	vmul.f32 v54, v21;
	v57 =	vsub.f32 v24, v31  }
0xac: {  	v7 =	vadd.f32 v16, v7;
	v58 =	vadd.f32 v20, v29;
	v59 =	vmul.f32 v55, v22  }
0xad: {  	v15 =	vmul.f32 $5.000000070e-02, v15;
	v18 =	vadd.f32 v56, v28;
	v19 =	vmul.f32 v57, v23  }
0xae: {  	v12 =	vadd.f32 v17, v12;
	v16 =	vmul.f32 $5.000000070e-02, v58;
	v60 =	vadd.f32 v59, v30  }
0xaf: {  	[tilespmem:v1+s3+$0x0] =	vst.idx.msk $0xffff, v7;
	v1 =	vadd.f32 v15, v9;
	v61 =	vmul.f32 $5.000000070e-02, v18;
	v62 =	vadd.f32 v19, v31  }
0xb0: {  	[tilespmem:v2+s3+$0x0] =	vst.idx.msk $0xffff, v12;
	v2 =	vadd.f32 v16, v13;
	v63 =	vmul.f32 $5.000000070e-02, v60  }
0xb1: {  	[tilespmem:v3+s3+$0x0] =	vst.idx.msk $0xffff, v1;
	v1 =	vadd.f32 v61, v14;
	v3 =	vmul.f32 $5.000000070e-02, v62  }
0xb2: {  	[tilespmem:v4+s3+$0x0] =	vst.idx.msk $0xffff, v2;
	v2 =	vadd.f32 v63, v10  }
0xb3: {  	[tilespmem:v6+s3+$0x0] =	vst.idx.msk $0xffff, v1;
	v1 =	vadd.f32 v3, v11  }
0xb4: {  	[tilespmem:v5+s3+$0x0] =	vst.idx.msk $0xffff, v2  }
0xb5: {  	s13 =	sadd.s32 $0x1, s13;
	[tilespmem:v8+s3+$0x0] =	vst.idx.msk $0xffff, v1  }
0xb6: {  	[hbm4b:s6+s3] =	stream.linear.scatter [tilespmem:s11], [sflag:$0x3], $0x8000, $0x38;
	[tilespmem:$0x10180] =	vst v63  }
0xb7: {  	p0 =	sne.s32 s13, s7;
	_ =	swait.ge [sflag:s12], $0x8000  }
.Ltmp2:
0xb8: {  	[sflag:s12] =	ssyncset.done $0x0;
	(pc) =	sbr.rel @p0 .LBB2_1-.Ltmp2, $4  }
0xb9: {  	[sflag:s12] =	ssyncadd.s32 $0xFFFF8000  }
0xba: {  	_ =	swait.ge [sflag:s12], $0x8000  }
0xbb: {  	[sflag:s12] =	ssyncset.done $0x0  }
0xbc: {  	[sflag:s12] =	ssyncadd.s32 $0xFFFF8000  }
0xbd: {  	_ =	sfence.sel $0x180000  }
0xbe: {  	[bflag:$0x0] =	sbarrier.arrive $0xFFFF  }
0xbf: {  	p0 =	sne.s32 s1, $0x0;
	_ =	strace $0x90000047  }
0xc0: {  	s0 =	sadd.s32 @!p0 $0x100000, s0;
	[bflag:$0x2] =	sbarrier.arrive $0xFFFF  }
0xc1: {  	[sflag:s0] =	ssyncadd.tile.s32 @!p0 $0x1;
	_ =	shalt  }
.Lfunc_end2:
_tile_overlayer_lowered:
.L_overlay_start_2:
0xc2: {  	(tag) =	ssettag $0x2  }
0xc3: {  	s0 =	rddreg [dreg:$0x0];
	s2 =	stileid.u32  }
0xc4: {  	s1 =	rddreg [dreg:$0x1];
	p0 =	sne.s32 s2, $0x0  }
0xc5: {  	s3 =	rddreg [dreg:$0x2];
	[bflag:$0x3] =	sbarrier.arrive $0xFFFF;
	s2 =	simm.s32 @!p0 $0x1C04  }
0xc6: {  	[timem:s3], [sflag:s2] =	dma.local @!p0 [hbm:s0], s1  }
0xc7: {  	s0 =	simm.s32 @!p0 $0x4  }
0xc8: {  	_ =	swait.ge @!p0 [sflag:s0], s1  }
0xc9: {  	s1 =	ssub.s32 @!p0 $0x0, s1;
	[sflag:s0] =	ssyncset.done @!p0 $0x0  }
0xca: {  	[sflag:s0] =	ssyncadd.s32 @!p0 s1  }
0xcb: {  	[bflag:$0x3] =	sbarrier.arrive $0xFFFF  }
0xcc: {  	_ =	shalt  }

</sc_bundles>
